<compile_context>
chip_gen: v7x
topology: tpu7x:2x2x1
jax: 0.10.2.dev20260603
libtpu: 0.0.44.dev20260713+nightly
codegen_flags: <defaults>
</compile_context>

<pallas_src>
import functools

import jax
import jax.numpy as jnp
from jax import lax
from jax.experimental import pallas as pl
from jax.experimental.pallas import tpu as pltpu
from jax.experimental.pallas import tpu_sc as plsc

VOCAB = 1000
DIM = 2
WINDOW = 5
BATCH = 16384

_LANES = 16


def _make_sc_gather():
  info = plsc.get_sparse_core_info()
  nc, ns = info.num_cores, info.num_subcores
  nw = nc * ns
  b_per_w = BATCH // nw
  mesh = plsc.VectorSubcoreMesh(core_axis_name="c", subcore_axis_name="s")

  @functools.partial(
      pl.kernel,
      mesh=mesh,
      compiler_params=pltpu.CompilerParams(needs_layout_passes=False),
      out_type=jax.ShapeDtypeStruct((DIM * BATCH,), jnp.float32),
      scratch_types=[
          pltpu.VMEM((b_per_w,), jnp.int32),
          pltpu.VMEM((VOCAB * DIM,), jnp.float32),
          pltpu.VMEM((b_per_w,), jnp.float32),
          pltpu.VMEM((b_per_w,), jnp.float32),
          pltpu.SemaphoreType.DMA,
          pltpu.SemaphoreType.DMA,
      ],
  )
  def sc_gather(x_hbm, tab_hbm, e_hbm, x_v, tab_v, e0_v, e1_v, sem0, sem1):
    wid = lax.axis_index("s") * nc + lax.axis_index("c")
    base = wid * b_per_w
    cp_x = pltpu.async_copy(x_hbm.at[pl.ds(base, b_per_w)], x_v, sem0)
    cp_t = pltpu.async_copy(tab_hbm, tab_v, sem1)
    cp_x.wait()
    cp_t.wait()
    def body(i, _):
      off = i * _LANES
      idx = x_v[pl.ds(off, _LANES)]
      e0_v[pl.ds(off, _LANES)] = plsc.load_gather(tab_v, [idx * DIM])
      e1_v[pl.ds(off, _LANES)] = plsc.load_gather(tab_v, [idx * DIM + 1])
      return _

    lax.fori_loop(0, b_per_w // _LANES, body, None)
    cp_e0 = pltpu.async_copy(e0_v, e_hbm.at[pl.ds(base, b_per_w)], sem0)
    cp_e1 = pltpu.async_copy(e1_v, e_hbm.at[pl.ds(BATCH + base, b_per_w)], sem1)
    cp_e0.wait()
    cp_e1.wait()

  return sc_gather


_sc_gather = _make_sc_gather()

_BV = 40


def _tc_project(e_ref, w_ref, out_ref):
  e0 = e_ref[pl.ds(0, BATCH)].reshape(1, BATCH)
  e1 = e_ref[pl.ds(BATCH, BATCH)].reshape(1, BATCH)
  logits = (w_ref[:, 0:1] * e0 + w_ref[:, 1:2] * e1
            + w_ref[:, 2:3])
  out_ref[...] = jnp.broadcast_to(logits[None], (WINDOW, _BV, BATCH))


def kernel(x, emb_table, W, b):
  e = _sc_gather(x.astype(jnp.int32), emb_table.reshape(-1))
  waug = jnp.concatenate([W, b.reshape(VOCAB, 1)], axis=1)
  out_t = pl.pallas_call(
      _tc_project,
      grid=(pl.cdiv(VOCAB, _BV),),
      in_specs=[
          pl.BlockSpec((DIM * BATCH,), lambda i: (0,)),
          pl.BlockSpec((_BV, DIM + 1), lambda i: (i, 0)),
      ],
      out_specs=pl.BlockSpec((WINDOW, _BV, BATCH), lambda i: (0, i, 0)),
      out_shape=jax.ShapeDtypeStruct((WINDOW, VOCAB, BATCH), jnp.float32),
  )(e, waug)
  return jnp.transpose(out_t, (2, 0, 1))

# --- scband reference (transcript-rebuilt; emitter-appended) ---
"""Pipeline reference for scband-model-25125558682285 (READ-ONLY COPY).

The authoritative reference and input builder live on the scoring server;
editing this copy changes nothing except your own understanding.
"""

import jax, jax.numpy as jnp
import numpy as np

VOCAB = 1000
DIM = 2
WINDOW = 5
BATCH = 16384


def setup_inputs(seed: int = 0) -> dict:
    key = jax.random.key(seed)
    k1, k2, k3 = jax.random.split(key, 3)
    x = jax.random.randint(k1, (BATCH,), 0, VOCAB, dtype=jnp.int64 if jax.config.read('jax_enable_x64') else jnp.int32)
    emb_table = jax.random.normal(k2, (VOCAB, DIM), dtype=jnp.float32)
    # xavier_uniform for linear weight [out=VOCAB, in=DIM]
    limit = float(np.sqrt(6.0 / (VOCAB + DIM)))
    W = jax.random.uniform(k3, (VOCAB, DIM), dtype=jnp.float32, minval=-limit, maxval=limit)
    b = jnp.zeros((VOCAB,), dtype=jnp.float32)
    return {"x": x, "emb_table": emb_table, "W": W, "b": b}


def reference(x, emb_table, W, b):
    # emb = self.embedding(x)  -> gather rows
    emb = jnp.take(emb_table, x, axis=0)              # [B, DIM]
    # emb = torch.unsqueeze(emb, 1).repeat(1, window_size, 1)
    emb = jnp.repeat(emb[:, None, :], WINDOW, axis=1)  # [B, WINDOW, DIM]
    # output = self.linear_layer(emb)  (Linear: y = x @ W.T + b)
    output = jnp.einsum('bwd,vd->bwv', emb, W) + b     # [B, WINDOW, VOCAB]
    return output

if __name__ == "__main__":
    import jax
    _d = setup_inputs()
    print(jax.jit(kernel)(*tuple(_d.values())))

</pallas_src>

<mosaic_0001>
#map = affine_map<(d0, d1) -> (0)>
module attributes {stable_mosaic.version = 14 : i64} {
  func.func @sc_gather(%arg0: i32, %arg1: i32, %arg2: memref<16384xi32, #tpu.memory_space<hbm>>, %arg3: memref<2000xf32, #tpu.memory_space<hbm>>, %arg4: memref<32768xf32, #tpu.memory_space<hbm>>, %arg5: memref<512xi32, #tpu.memory_space<vmem>>, %arg6: memref<2000xf32, #tpu.memory_space<vmem>>, %arg7: memref<512xf32, #tpu.memory_space<vmem>>, %arg8: memref<512xf32, #tpu.memory_space<vmem>>, %arg9: memref<!tpu.dma_semaphore, #tpu.memory_space<semaphore_mem>>, %arg10: memref<!tpu.dma_semaphore, #tpu.memory_space<semaphore_mem>>) attributes {dimension_semantics = [#tpu.dimension_semantics<core_parallel>, #tpu.dimension_semantics<subcore_parallel>], iteration_bounds = array<i64: 2, 16>, scalar_prefetch = 0 : i64, scratch_operands = 6 : i64, tpu.core_type = #tpu.core_type<sc_vector_subcore>, window_params = [{transform_indices = #map}, {transform_indices = #map}, {transform_indices = #map}]} {
    %mul3A = arith.constant 2 : i32
    %mul3A_0 = arith.muli %arg1, %mul3A : i32
    %add3A = arith.addi %mul3A_0, %arg0 : i32
    %mul3A_1 = arith.constant 512 : i32
    %mul3A_2 = arith.muli %add3A, %mul3A_1 : i32
    %dma_start3A = tpu.memref_slice %arg2[%mul3A_2] : memref<16384xi32, #tpu.memory_space<hbm>> -> memref<512xi32, #tpu.memory_space<hbm>>
    %dma_start3A_3 = tpu.memref_slice %arg2[%mul3A_2] : memref<16384xi32, #tpu.memory_space<hbm>> -> memref<512xi32, #tpu.memory_space<hbm>>
    tpu.enqueue_dma source(%dma_start3A_3 : memref<512xi32, #tpu.memory_space<hbm>>) target(%arg5 : memref<512xi32, #tpu.memory_space<vmem>>) target_semaphore(%arg9 : memref<!tpu.dma_semaphore, #tpu.memory_space<semaphore_mem>>)
    tpu.enqueue_dma source(%arg3 : memref<2000xf32, #tpu.memory_space<hbm>>) target(%arg6 : memref<2000xf32, #tpu.memory_space<vmem>>) target_semaphore(%arg10 : memref<!tpu.dma_semaphore, #tpu.memory_space<semaphore_mem>>)
    %dma_wait3A = tpu.memref_slice %arg2[%mul3A_2] : memref<16384xi32, #tpu.memory_space<hbm>> -> memref<512xi32, #tpu.memory_space<hbm>>
    %dma_wait3A_4 = tpu.memref_slice %arg2[%mul3A_2] : memref<16384xi32, #tpu.memory_space<hbm>> -> memref<512xi32, #tpu.memory_space<hbm>>
    tpu.wait_dma2 semaphore(%arg9 : memref<!tpu.dma_semaphore, #tpu.memory_space<semaphore_mem>>) src(%dma_wait3A_4 : memref<512xi32, #tpu.memory_space<hbm>>) dst(%arg5 : memref<512xi32, #tpu.memory_space<vmem>>)
    tpu.wait_dma2 semaphore(%arg10 : memref<!tpu.dma_semaphore, #tpu.memory_space<semaphore_mem>>) src(%arg3 : memref<2000xf32, #tpu.memory_space<hbm>>) dst(%arg6 : memref<2000xf32, #tpu.memory_space<vmem>>)
    %scan3A = arith.constant 0 : i32
    %scan3A_5 = arith.constant 32 : i32
    %scan3A_6 = arith.addi %scan3A, %scan3A_5 : i32
    %scan3A_7 = arith.constant 1 : i32
    scf.for %scan3A_19 = %scan3A to %scan3A_6 step %scan3A_7  : i32 {
      %mul3A_20 = arith.constant 16 : i32
      %mul3A_21 = arith.muli %scan3A_19, %mul3A_20 : i32
      %get3A = arith.index_cast %mul3A_21 : i32 to index
      %get3A_22 = tpu.vector_load %arg5[%get3A] {strides = array<i32>} : memref<512xi32, #tpu.memory_space<vmem>>, vector<16xi32>,
      %mul3A_23 = arith.constant 2 : i32
      %mul3A_24 = vector.broadcast %mul3A_23 : i32 to vector<16xi32>
      %mul3A_25 = arith.muli %get3A_22, %mul3A_24 : vector<16xi32>
      %gather3A = tpu.vector_load_idx %arg6[%mul3A_25] : memref<2000xf32, #tpu.memory_space<vmem>>[vector<16xi32>], vector<16xf32>,
      %swap3A = arith.index_cast %mul3A_21 : i32 to index
      %swap3A_26 = tpu.vector_load %arg7[%swap3A] {strides = array<i32>} : memref<512xf32, #tpu.memory_space<vmem>>, vector<16xf32>,
      tpu.vector_store %arg7[%swap3A], %gather3A {strides = array<i32>} : memref<512xf32, #tpu.memory_space<vmem>>, vector<16xf32>,
      %mul3A_27 = arith.constant 2 : i32
      %mul3A_28 = vector.broadcast %mul3A_27 : i32 to vector<16xi32>
      %mul3A_29 = arith.muli %get3A_22, %mul3A_28 : vector<16xi32>
      %add3A_30 = arith.constant 1 : i32
      %add3A_31 = vector.broadcast %add3A_30 : i32 to vector<16xi32>
      %add3A_32 = arith.addi %mul3A_29, %add3A_31 : vector<16xi32>
      %gather3A_33 = tpu.vector_load_idx %arg6[%add3A_32] : memref<2000xf32, #tpu.memory_space<vmem>>[vector<16xi32>], vector<16xf32>,
      %swap3A_34 = arith.index_cast %mul3A_21 : i32 to index
      %swap3A_35 = tpu.vector_load %arg8[%swap3A_34] {strides = array<i32>} : memref<512xf32, #tpu.memory_space<vmem>>, vector<16xf32>,
      tpu.vector_store %arg8[%swap3A_34], %gather3A_33 {strides = array<i32>} : memref<512xf32, #tpu.memory_space<vmem>>, vector<16xf32>,
    }
    %scan3A_8 = arith.constant 32 : i32
    %dma_start3A_9 = tpu.memref_slice %arg4[%mul3A_2] : memref<32768xf32, #tpu.memory_space<hbm>> -> memref<512xf32, #tpu.memory_space<hbm>>
    %dma_start3A_10 = tpu.memref_slice %arg4[%mul3A_2] : memref<32768xf32, #tpu.memory_space<hbm>> -> memref<512xf32, #tpu.memory_space<hbm>>
    tpu.enqueue_dma source(%arg7 : memref<512xf32, #tpu.memory_space<vmem>>) target(%dma_start3A_10 : memref<512xf32, #tpu.memory_space<hbm>>) target_semaphore(%arg9 : memref<!tpu.dma_semaphore, #tpu.memory_space<semaphore_mem>>)
    %add3A_11 = arith.constant 16384 : i32
    %add3A_12 = arith.addi %add3A_11, %mul3A_2 : i32
    %dma_start3A_13 = tpu.memref_slice %arg4[%add3A_12] : memref<32768xf32, #tpu.memory_space<hbm>> -> memref<512xf32, #tpu.memory_space<hbm>>
    %dma_start3A_14 = tpu.memref_slice %arg4[%add3A_12] : memref<32768xf32, #tpu.memory_space<hbm>> -> memref<512xf32, #tpu.memory_space<hbm>>
    tpu.enqueue_dma source(%arg8 : memref<512xf32, #tpu.memory_space<vmem>>) target(%dma_start3A_14 : memref<512xf32, #tpu.memory_space<hbm>>) target_semaphore(%arg10 : memref<!tpu.dma_semaphore, #tpu.memory_space<semaphore_mem>>)
    %dma_wait3A_15 = tpu.memref_slice %arg4[%mul3A_2] : memref<32768xf32, #tpu.memory_space<hbm>> -> memref<512xf32, #tpu.memory_space<hbm>>
    %dma_wait3A_16 = tpu.memref_slice %arg4[%mul3A_2] : memref<32768xf32, #tpu.memory_space<hbm>> -> memref<512xf32, #tpu.memory_space<hbm>>
    tpu.wait_dma2 semaphore(%arg9 : memref<!tpu.dma_semaphore, #tpu.memory_space<semaphore_mem>>) src(%arg7 : memref<512xf32, #tpu.memory_space<vmem>>) dst(%dma_wait3A_16 : memref<512xf32, #tpu.memory_space<hbm>>)
    %dma_wait3A_17 = tpu.memref_slice %arg4[%add3A_12] : memref<32768xf32, #tpu.memory_space<hbm>> -> memref<512xf32, #tpu.memory_space<hbm>>
    %dma_wait3A_18 = tpu.memref_slice %arg4[%add3A_12] : memref<32768xf32, #tpu.memory_space<hbm>> -> memref<512xf32, #tpu.memory_space<hbm>>
    tpu.wait_dma2 semaphore(%arg10 : memref<!tpu.dma_semaphore, #tpu.memory_space<semaphore_mem>>) src(%arg8 : memref<512xf32, #tpu.memory_space<vmem>>) dst(%dma_wait3A_18 : memref<512xf32, #tpu.memory_space<hbm>>)
    return
  }
}

module attributes {stable_mosaic.version = 14 : i64} {
  func.func @_tc_project(%arg0: i32, %arg1: memref<32768xf32, #tpu.memory_space<vmem>>, %arg2: memref<40x3xf32, #tpu.memory_space<vmem>>, %arg3: memref<5x40x16384xf32, #tpu.memory_space<vmem>>) attributes {dimension_semantics = [#tpu.dimension_semantics<arbitrary>], iteration_bounds = array<i64: 25>, scalar_prefetch = 0 : i64, scratch_operands = 0 : i64, tpu.core_type = #tpu.core_type<tc>, window_params = [{pipeline_mode = #tpu.pipeline_mode<synchronous>, transform_indices = @transform_0, window_bounds = array<i64: 32768>}, {transform_indices = @transform_1, window_bounds = array<i64: 40, 3>}, {transform_indices = @transform_2, window_bounds = array<i64: 5, 40, 16384>}]} {
    %get3A = arith.constant 0 : index
    %get3A_0 = vector.load %arg1[%get3A] : memref<32768xf32, #tpu.memory_space<vmem>>, vector<16384xf32>
    %reshape3A = vector.shape_cast %get3A_0 : vector<16384xf32> to vector<1x16384xf32>
    %get3A_1 = arith.constant 16384 : index
    %get3A_2 = vector.load %arg1[%get3A_1] : memref<32768xf32, #tpu.memory_space<vmem>>, vector<16384xf32>
    %reshape3A_3 = vector.shape_cast %get3A_2 : vector<16384xf32> to vector<1x16384xf32>
    %get3A_4 = arith.constant 0 : index
    %get3A_5 = arith.constant 0 : index
    %get3A_6 = vector.load %arg2[%get3A_4, %get3A_5] : memref<40x3xf32, #tpu.memory_space<vmem>>, vector<40x1xf32>
    %mul3A = vector.broadcast %get3A_6 : vector<40x1xf32> to vector<40x16384xf32>
    %mul3A_7 = vector.broadcast %reshape3A : vector<1x16384xf32> to vector<40x16384xf32>
    %mul3A_8 = arith.mulf %mul3A, %mul3A_7 : vector<40x16384xf32>
    %get3A_9 = arith.constant 0 : index
    %get3A_10 = arith.constant 1 : index
    %get3A_11 = vector.load %arg2[%get3A_9, %get3A_10] : memref<40x3xf32, #tpu.memory_space<vmem>>, vector<40x1xf32>
    %mul3A_12 = vector.broadcast %get3A_11 : vector<40x1xf32> to vector<40x16384xf32>
    %mul3A_13 = vector.broadcast %reshape3A_3 : vector<1x16384xf32> to vector<40x16384xf32>
    %mul3A_14 = arith.mulf %mul3A_12, %mul3A_13 : vector<40x16384xf32>
    %add3A = arith.addf %mul3A_8, %mul3A_14 : vector<40x16384xf32>
    %get3A_15 = arith.constant 0 : index
    %get3A_16 = arith.constant 2 : index
    %get3A_17 = vector.load %arg2[%get3A_15, %get3A_16] : memref<40x3xf32, #tpu.memory_space<vmem>>, vector<40x1xf32>
    %add3A_18 = vector.broadcast %get3A_17 : vector<40x1xf32> to vector<40x16384xf32>
    %add3A_19 = arith.addf %add3A, %add3A_18 : vector<40x16384xf32>
    %broadcast_in_dim3A = vector.shape_cast %add3A_19 : vector<40x16384xf32> to vector<1x40x16384xf32>
    %broadcast_in_dim3A_20 = vector.shape_cast %broadcast_in_dim3A : vector<1x40x16384xf32> to vector<1x40x16384xf32>
    %broadcast_in_dim3A_21 = vector.broadcast %broadcast_in_dim3A_20 : vector<1x40x16384xf32> to vector<5x40x16384xf32>
    %swap3A = arith.constant 0 : index
    %swap3A_22 = arith.constant 0 : index
    %swap3A_23 = arith.constant 0 : index
    %swap3A_24 = vector.load %arg3[%swap3A, %swap3A_22, %swap3A_23] : memref<5x40x16384xf32, #tpu.memory_space<vmem>>, vector<5x40x16384xf32>
    tpu.vector_store %arg3[%swap3A, %swap3A_22, %swap3A_23], %broadcast_in_dim3A_21 {strides = array<i32>} : memref<5x40x16384xf32, #tpu.memory_space<vmem>>, vector<5x40x16384xf32>,
    return
  }
  func.func @transform_0(%arg0: i32) -> i32 {
    %c0_i32 = arith.constant 0 : i32
    %c0_i32_0 = arith.constant 0 : i32
    return %c0_i32 : i32
  }
  func.func @transform_1(%arg0: i32) -> (i32, i32) {
    %c0_i32 = arith.constant 0 : i32
    %c0_i32_0 = arith.constant 0 : i32
    return %arg0, %c0_i32 : i32, i32
  }
  func.func @transform_2(%arg0: i32) -> (i32, i32, i32) {
    %c0_i32 = arith.constant 0 : i32
    %c0_i32_0 = arith.constant 0 : i32
    %c0_i32_1 = arith.constant 0 : i32
    return %c0_i32, %arg0, %c0_i32_0 : i32, i32, i32
  }
}

</mosaic_0001>

<sc_bundles>
// kernel: kernel.4.cloned.1.call-start
scs
__scs_entry_jumppad:
0x0: {  	(pc) =	sbr.rel $0x88, $3  }
0x1: {  	(tag) =	ssettag $0x0;
	lr =	simm.s32 $0x1  }
0x2: {  	[smem:$0x3F9D] =	sst lr;
	_ =	strace $0xD0000000  }
0x3: {  	_ = 	snop  }
0x4: {  	_ = 	snop  }
0x5: {  	_ = 	snop  }
0x6: {  	_ = 	snop  }
0x7: {  	_ = 	snop  }
__scs_overlays_trampoline_lowered:
0x8: {  	[smem:$0x3FAC] =	sst s0  }
0x9: {  	[smem:$0x3FAD] =	sst s1  }
0xa: {  	[smem:$0x3FAE] =	sst s2  }
0xb: {  	[smem:$0x3FAF] =	sst s3  }
0xc: {  	[smem:$0x3FB0] =	sst s4  }
0xd: {  	[smem:$0x3FB1] =	sst s5  }
0xe: {  	[smem:$0x3FB2] =	sst s6  }
0xf: {  	[smem:$0x3FB3] =	sst s7  }
0x10: {  	[smem:$0x3FB4] =	sst s8  }
0x11: {  	[smem:$0x3FB5] =	sst s9;
	s0 =	simm.s32 @!p0 $0x0  }
0x12: {  	s1 =	sld [smem:$0x3F9B];
	s0 =	simm.s32 @p0 $0x1  }
0x13: {  	[smem:$0x3FB6] =	sst s0;
	s0 =	simm.s32 @!p1 $0x0  }
0x14: {  	s2 =	sld [smem:$0x3F9A];
	s0 =	simm.s32 @p1 $0x1  }
0x15: {  	[smem:$0x3FB7] =	sst s0;
	s0 =	simm.s32 @!p2 $0x0  }
0x16: {  	s3 =	sld [smem:$0x3FDB];
	s0 =	simm.s32 @p2 $0x1  }
0x17: {  	s4 =	simm.s32 $0x1BF5;
	[smem:$0x3FB9] =	sst s0  }
0x18: {  	s0 =	sld [smem:$0x3F9C];
	_ =	swait.ge [sflag:s4], $0x0  }
0x19: {  	s7 =	sld [smem:$0x3F9D]  }
0x1a: {  	s8 =	sadd.s32 $0xFFFFE003, lr  }
0x1b: {  	s9 =	sadd.s32 $0xFFFFFEF7, lr;
	s5 =	simm.s32 $0xFFFFFFFF;
	p2 =	slt.u32 s8, $0xFFFFF086  }
0x1c: {  	p1 =	slt.u32 s9, $0xF7A;
	s5 =	simm.s32 @!p2 $0x0  }
0x1d: {  	s5 =	simm.s32 @p1 $0x1;
	p0 =	seq.s32 s7, s2  }
0x1e: {  	s7 =	smul.u32 @!p0 $0xF7A, s2;
	p2 =	seq.s32 @!p0 s5, $0x0  }
0x1f: {  	s9 =	smul.u32 $0xF7A, s1;
	s8 =	simm.s32 @!p0 $0x1BF5;
	p2 =	por !p2, p0  }
0x20: {  	[sflag:s8] =	ssyncset.s32 @!p0 $0xFFFFF086;
	s6 =	sadd.s32 @!p0 s3, s7;
	s7 =	simm.s32 @!p0 $0x108  }
0x21: {  	s3 =	sadd.s32 s3, s9;
	s6 =	sadd.s32 @!p0 $0x88, s6;
	s7 =	simm.s32 @p2 $0x1082  }
0x22: {  	[simem:s7], [sflag:s8] =	dma.local @!p0 [hbm:s6], $0xF7A  }
0x23: {  	s9 =	sor.u32 $0xD0000000, s2;
	s6 =	simm.s32 $0x108;
	_ =	swait.ge @!p0 [sflag:s8], $0x0  }
0x24: {  	s3 =	sadd.s32 $0x88, s3;
	s6 =	simm.s32 @!p1 $0x1082;
	[sflag:s4] =	ssyncset.s32 $0xFFFFF086  }
0x25: {  	[simem:s6], [sflag:s4] =	dma.local [hbm:s3], $0xF7A  }
0x26: {  	[smem:$0x3F9D] =	sst s1;
	(tag) =	ssettag s2;
	_ =	strace s9  }
0x27: {  	s1 =	sld [smem:$0x3FAD]  }
0x28: {  	s2 =	sld [smem:$0x3FAE]  }
0x29: {  	s4 =	sld [smem:$0x3FB0]  }
0x2a: {  	p0 =	seq.s32 s5, $0x0;
	s5 =	sld [smem:$0x3FB1]  }
0x2b: {  	s6 =	sld [smem:$0x3FB2]  }
0x2c: {  	s7 =	sld [smem:$0x3FB3]  }
0x2d: {  	s3 =	simm.s32 $0x108;
	s8 =	sld [smem:$0x3FB4]  }
0x2e: {  	s3 =	simm.s32 @!p0 $0x1082;
	s9 =	sld [smem:$0x3FB5]  }
0x2f: {  	lr =	sadd.s32 s0, s3;
	s0 =	sld [smem:$0x3FAC]  }
0x30: {  	s3 =	sld [smem:$0x3FAF]  }
0x31: {  	[smem:$0x3FB8] =	sst s10  }
0x32: {  	s10 =	sld [smem:$0x3FB6];
	_ =	sdelay $0x3  }
0x33: {  	p0 =	seq.s32 s10, $0x1;
	s10 =	sld [smem:$0x3FB8];
	_ =	sdelay $0x3  }
0x34: {  	[smem:$0x3FB8] =	sst s10  }
0x35: {  	s10 =	sld [smem:$0x3FB7];
	_ =	sdelay $0x3  }
0x36: {  	p1 =	seq.s32 s10, $0x1;
	s10 =	sld [smem:$0x3FB8];
	_ =	sdelay $0x3  }
0x37: {  	[smem:$0x3FB8] =	sst s10  }
0x38: {  	s10 =	sld [smem:$0x3FB9]  }
0x39: {  	_ = 	snop;
	(pc) =	sbr.ind lr, $3  }
0x3a: {  	_ = 	snop  }
0x3b: {  	_ = 	snop  }
0x3c: {  	p2 =	seq.s32 s10, $0x1;
	s10 =	sld [smem:$0x3FB8]  }
0x3d: {  	_ =	shalt  }
0x3e: {  	_ =	shalt  }
0x3f: {  	_ =	shalt  }
0x40: {  	_ =	shalt  }
0x41: {  	_ =	shalt  }
0x42: {  	_ =	shalt  }
0x43: {  	_ =	shalt  }
0x44: {  	_ =	shalt  }
0x45: {  	_ =	shalt  }
0x46: {  	_ =	shalt  }
0x47: {  	_ =	shalt  }
0x48: {  	_ =	shalt  }
0x49: {  	_ =	shalt  }
0x4a: {  	_ =	shalt  }
0x4b: {  	_ =	shalt  }
0x4c: {  	_ =	shalt  }
0x4d: {  	_ =	shalt  }
0x4e: {  	_ =	shalt  }
0x4f: {  	_ =	shalt  }
0x50: {  	_ =	shalt  }
0x51: {  	_ =	shalt  }
0x52: {  	_ =	shalt  }
0x53: {  	_ =	shalt  }
0x54: {  	_ =	shalt  }
0x55: {  	_ =	shalt  }
0x56: {  	_ =	shalt  }
0x57: {  	_ =	shalt  }
0x58: {  	_ =	shalt  }
0x59: {  	_ =	shalt  }
0x5a: {  	_ =	shalt  }
0x5b: {  	_ =	shalt  }
0x5c: {  	_ =	shalt  }
0x5d: {  	_ =	shalt  }
0x5e: {  	_ =	shalt  }
0x5f: {  	_ =	shalt  }
0x60: {  	_ =	shalt  }
0x61: {  	_ =	shalt  }
0x62: {  	_ =	shalt  }
0x63: {  	_ =	shalt  }
0x64: {  	_ =	shalt  }
0x65: {  	_ =	shalt  }
0x66: {  	_ =	shalt  }
0x67: {  	_ =	shalt  }
0x68: {  	_ =	shalt  }
0x69: {  	_ =	shalt  }
0x6a: {  	_ =	shalt  }
0x6b: {  	_ =	shalt  }
0x6c: {  	_ =	shalt  }
0x6d: {  	_ =	shalt  }
0x6e: {  	_ =	shalt  }
0x6f: {  	_ =	shalt  }
0x70: {  	_ =	shalt  }
0x71: {  	_ =	shalt  }
0x72: {  	_ =	shalt  }
0x73: {  	_ =	shalt  }
0x74: {  	_ =	shalt  }
0x75: {  	_ =	shalt  }
0x76: {  	_ =	shalt  }
0x77: {  	_ =	shalt  }
0x78: {  	_ =	shalt  }
0x79: {  	_ =	shalt  }
0x7a: {  	_ =	shalt  }
0x7b: {  	_ =	shalt  }
0x7c: {  	_ =	shalt  }
0x7d: {  	_ =	shalt  }
0x7e: {  	_ =	shalt  }
0x7f: {  	_ =	shalt  }
0x80: {  	_ =	shalt  }
0x81: {  	_ =	shalt  }
0x82: {  	_ =	shalt  }
0x83: {  	_ =	shalt  }
0x84: {  	_ =	shalt  }
0x85: {  	_ =	shalt  }
0x86: {  	_ =	shalt  }
0x87: {  	_ =	shalt  }
.Lfunc_end0:
.L_simem_size_0:
called_computation_lowered:
.L_overlay_start_0:
0x88: {  	s2 =	sld [smem:$0x3FD9]  }
0x89: {  	s3 =	sld [smem:$0x3FFE];
	_ =	sdelay $0x1  }
0x8a: {  	s1 =	srdreg.scid  }
0x8b: {  	s0 =	sand.u32 $0x1, s1  }
0x8c: {  	s17 =	sshll.u32 s0, $0xA;
	s2 =	sadd.s32 s3, s2  }
0x8d: {  	s2 =	sadd.s32 s2, s17  }
0x8e: {  	[smem:$0x3FC4] =	sst s2  }
0x8f: {  	_ = 	snop  }
0x90: {  	s2 =	sld [smem:$0x3FC9]  }
0x91: {  	s18 =	sld [smem:$0x3FD0];
	(tm) =	ssettm $0x1  }
0x92: {  	s4 =	sld [smem:$0x3FFB];
	_ =	sdelay $0x3  }
0x93: {  	_ =	strace s4  }
0x94: {  	s4 =	sld [smem:$0x3FFC];
	_ =	sdelay $0x3  }
0x95: {  	_ =	strace s4  }
0x96: {  	s4 =	sld [smem:$0x3FFD];
	_ =	sdelay $0x3  }
0x97: {  	_ =	strace s4  }
0x98: {  	_ =	strace $0x8FFFFFFF  }
0x99: {  	s19 =	sld [smem:$0x3FDB];
	_ =	sdelay $0x1  }
0x9a: {  	s5 =	simm.s32 $_scs_section_size  }
0x9b: {  	s6 =	simm.s32 $_size__tile_overlayer_lowered;
	s7 =	simm.s32 $_tile_overlayer_lowered  }
0x9c: {  	s22 =	simm.s32 $0x1BFF;
	s21 =	sshll.u32 s7, $0x1;
	s4 =	sadd.s32 s5, s19  }
0x9d: {  	s8 =	simm.s32 $0x0;
	s20 =	sshll.u32 s6, $0x1;
	s6 =	sadd.s32 s21, s4  }
0x9e: {  	[timem:s8], [sflag:s22] =	dma.local [hbm:s6], s20  }
0x9f: {  	_ =	swait.ge [sflag:s22], s20  }
0xa0: {  	s5 =	ssub.s32 $0x0, s20;
	[sflag:s22] =	ssyncset.done $0x0  }
0xa1: {  	[sflag:s22] =	ssyncadd.s32 s5;
	_ =	sdelay $0x1  }
0xa2: {  	s23 =	simm.s32 $0x1B8B  }
0xa3: {  	_ =	swait.ge [sflag:s23], $0x1  }
0xa4: {  	[sflag:s23] =	ssyncset.done $0x0  }
0xa5: {  	s25 =	simm.s32 $0x1B8E;
	s24 =	sld [smem:$0x3FFE];
	[sflag:s23] =	ssyncadd.s32 $0xFFFFFFFF  }
0xa6: {  	s26 =	simm.s32 $execute0_lowered;
	[smem:$0x3FD2] =	sst s25  }
0xa7: {  	s6 =	sshll.u32 s26, $0x1;
	_ =	strace $0x80000046;
	[dreg:$0x1] =	wrdreg $0xFFFFFFFF  }
0xa8: {  	s28 =	simm.s32 $_size_execute0_lowered;
	s4 =	sadd.s32 s4, s6;
	[dreg:$0x0] =	wrdreg $0x0  }
0xa9: {  	s6 =	sshll.u32 s28, $0x1;
	[dreg:$0x2] =	wrdreg s4  }
0xaa: {  	[dreg:$0x3] =	wrdreg s6  }
0xab: {  	[dreg:$0x4] =	wrdreg $0xC0  }
0xac: {  	_ =	task [dreg:s8], $0x5FFFF  }
0xad: {  	[dreg:$0x1] =	wrdreg $0xFFFFFFFF  }
0xae: {  	[dreg:$0x0] =	wrdreg $0x60  }
0xaf: {  	[dreg:$0x2] =	wrdreg s2  }
0xb0: {  	[dreg:$0x3] =	wrdreg s24  }
0xb1: {  	[dreg:$0x4] =	wrdreg s18  }
0xb2: {  	[dreg:$0x5] =	wrdreg $0x9  }
0xb3: {  	_ =	task.clear_ibuf [dreg:s8], $0x6FFFF;
	_ =	strace $0x90000046  }
0xb4: {  	s29 =	simm.s32 $0x9;
	_ =	strace $0x80000048  }
0xb5: {  	_ =	swait.ge [sflag:s29], $0x1  }
0xb6: {  	[sflag:s29] =	ssyncadd.s32 $0xFFFFFFFF  }
0xb7: {  	_ =	strace $0x90000048  }
0xb8: {  	_ =	sfence  }
0xb9: {  	s30 =	sld [smem:$0x0];
	_ =	sdelay $0x2  }
0xba: {  	s31 =	sshll.u32 s1, $0xD;
	s1 =	sshrl.u32 s1, $0x2  }
0xbb: {  	s3 =	sand.u32 $0x4000, s31;
	s1 =	sadd.s32 s1, s30  }
0xbc: {  	s0 =	sor.u32 s3, s0;
	s1 =	sshll.u32 s1, $0x11  }
0xbd: {  	s0 =	sor.u32 s1, s0  }
0xbe: {  	s0 =	sadd.s32 $0x8F2B, s0  }
0xbf: {  	[sflag:s0] =	ssyncadd.remote.s32 $0x1  }
0xc0: {  	_ =	sfence.sel $0xFFFF  }
0xc1: {  	[dreg:$0x0] =	wrdreg $0xFFFFFFFF;
	(pc) =	sbr.abs _section_cstart, $3  }
0xc2: {  	[dreg:$0x1] =	wrdreg $0xFFFFFFFF  }
0xc3: {  	_ =	task.clear_ibuf [dreg:s8], $0x2FFFF;
	_ =	strace $0x9FFFFFFF  }
0xc4: {  	(tm) =	ssettm $0x7FFFFFFF  }
0xc5: {  	_ =	shalt  }
tec
execute0_lowered:
.L_overlay_start_1:
0x0: {  	(tag) =	ssettag $0x1  }
0x1: {  	s5 =	rddreg [dreg:$0x0]  }
0x2: {  	s3 =	rddreg [dreg:$0x1]  }
0x3: {  	s4 =	rddreg [dreg:$0x2]  }
0x4: {  	s0 =	rddreg [dreg:$0x3];
	s2 =	simm.s32 $0x0;
	s6 =	srdreg.scid  }
0x5: {  	s1 =	stileid.u32;
	s10 =	simm.s32 $0x2;
	s11 =	simm.s32 $0xA00  }
0x6: {  	s12 =	simm.s32 $0xC00;
	s13 =	simm.s32 $0x0;
	[smem:$0x7FF] =	sst s2  }
0x7: {  	s6 =	sand.u32 $0x1, s6;
	s8 =	sshll.u32 s1, $0x7;
	s3 =	sadd.s32 $0x600, s3  }
0x8: {  	s7 =	ssub.s32 $0x2, s6;
	s6 =	sshll.u32 s6, $0x6;
	_ =	strace $0x80000047  }
0x9: {  	s9 =	sshrl.u32 s7, $0x1;
	s6 =	sor.u32 s6, s8;
	s8 =	simm.s32 $0x200  }
0xa: {  	s7 =	ssub.s32 s7, s9;
	s4 =	sadd.s32 s4, s6;
	s5 =	sadd.s32 s5, s6  }
0xb: {  	s9 =	simm.s32 $0x1;
	s6 =	sadd.s32 $0x800, s4;
	s7 =	smax.u32 s7, $0x1  }
.LBB2_1:
0xc: {  	[tilespmem:s2], [sflag:$0x1] =	stream.linear.gather [hbm4b:s5+s2], $0x200, $0x38;
	[tilespmem:$0xE00] =	vst v63  }
0xd: {  	_ = 	snop  }
0xe: {  	[tilespmem:s8], [sflag:$0x2] =	stream.linear.gather [hbm4b:s3+s2], $0x800, $0x38;
	[tilespmem:$0xE00] =	vst v63  }
0xf: {  	_ =	swait.ge [sflag:s9], $0x200  }
0x10: {  	[sflag:s9] =	ssyncset.done $0x0  }
0x11: {  	[sflag:s9] =	ssyncadd.s32 $0xFFFFFE00  }
0x12: {  	_ =	swait.ge [sflag:s10], $0x800  }
0x13: {  	[sflag:s10] =	ssyncset.done $0x0  }
0x14: {  	s14 =	simm.s32 $0x0;
	[sflag:s10] =	ssyncadd.s32 $0xFFFFF800  }
0x15: {  	v0 =	vld [tilespmem:s14+$0x0];
	_ =	sdelay $0x4  }
0x16: {  	v1 =	vshll.u32 v0, $0x1;
	_ =	sdelay $0x4  }
0x17: {  	v0 =	vld.idx.msk [tilespmem:v1+s8+$0x0], $0xffff  }
0x18: {  	v1 =	vor.u32 $0x1, v1  }
0x19: {  	s15 =	simm.s32 $0x10;
	s16 =	simm.s32 $0x80  }
.LBB2_2:
0x1a: {  	p0 =	sne.s32 s16, $0x7C0;
	v2 =	vld [tilespmem:s15+$0x0];
	_ =	sdelay $0x1  }
0x1b: {  	[tilespmem:s14+$0xA00] =	vst v0  }
0x1c: {  	v0 =	vld.idx.msk [tilespmem:v1+s8+$0x0], $0xffff;
	_ =	sdelay $0x1  }
0x1d: {  	v1 =	vshll.u32 v2, $0x1;
	_ =	sdelay $0x3  }
.Ltmp0:
0x1e: {  	[tilespmem:s14+$0xC00] =	vst v0;
	s14 =	smov.u32 s15;
	(pc) =	sbr.rel @p0 .LBB2_2-.Ltmp0, $3  }
0x1f: {  	v0 =	vld.idx.msk [tilespmem:v1+s8+$0x0], $0xffff;
	_ =	sdelay $0x1  }
0x20: {  	v1 =	vor.u32 $0x1, v1  }
0x21: {  	s15 =	sshra.s32 s16, $0x2;
	s16 =	sadd.s32 $0x40, s16  }
0x22: {  	v2 =	vld [tilespmem:s15+$0x0];
	_ =	sdelay $0x2  }
0x23: {  	[tilespmem:s14+$0xA00] =	vst v0  }
0x24: {  	v0 =	vld.idx.msk [tilespmem:v1+s8+$0x0], $0xffff  }
0x25: {  	v63 =	vshll.u32 v2, $0x1;
	_ =	sdelay $0x3  }
0x26: {  	[tilespmem:s14+$0xC00] =	vst v0  }
0x27: {  	v0 =	vld.idx.msk [tilespmem:v63+s8+$0x0], $0xffff  }
0x28: {  	v1 =	vor.u32 $0x1, v63;
	_ =	sdelay $0x3  }
0x29: {  	[tilespmem:s15+$0xA00] =	vst v0  }
0x2a: {  	v0 =	vld.idx.msk [tilespmem:v1+s8+$0x0], $0xffff;
	_ =	sdelay $0x4  }
0x2b: {  	[tilespmem:s15+$0xC00] =	vst v0  }
0x2c: {  	[hbm4b:s4+s2] =	stream.linear.scatter [tilespmem:s11], [sflag:$0x1], $0x200, $0x38;
	[tilespmem:$0xE00] =	vst v63  }
0x2d: {  	s13 =	sadd.s32 $0x1, s13  }
0x2e: {  	[hbm4b:s6+s2] =	stream.linear.scatter [tilespmem:s12], [sflag:$0x2], $0x200, $0x38;
	[tilespmem:$0xE00] =	vst v63  }
0x2f: {  	p0 =	sne.s32 s13, s7;
	_ =	swait.ge [sflag:s9], $0x200  }
.Ltmp1:
0x30: {  	[sflag:s9] =	ssyncset.done $0x0;
	(pc) =	sbr.rel @p0 .LBB2_1-.Ltmp1, $4  }
0x31: {  	[sflag:s9] =	ssyncadd.s32 $0xFFFFFE00  }
0x32: {  	_ =	swait.ge [sflag:s10], $0x200  }
0x33: {  	[sflag:s10] =	ssyncset.done $0x0  }
0x34: {  	[sflag:s10] =	ssyncadd.s32 $0xFFFFFE00  }
0x35: {  	_ =	sfence.sel $0x180000  }
0x36: {  	[bflag:$0x0] =	sbarrier.arrive $0xFFFF  }
0x37: {  	p0 =	sne.s32 s1, $0x0;
	_ =	strace $0x90000047  }
0x38: {  	s0 =	sadd.s32 @!p0 $0x100000, s0;
	[bflag:$0x2] =	sbarrier.arrive $0xFFFF  }
0x39: {  	[sflag:s0] =	ssyncadd.tile.s32 @!p0 $0x1;
	_ =	shalt  }
.Lfunc_end2:
_tile_overlayer_lowered:
.L_overlay_start_2:
0x3a: {  	(tag) =	ssettag $0x2  }
0x3b: {  	s0 =	rddreg [dreg:$0x0];
	s2 =	stileid.u32  }
0x3c: {  	s1 =	rddreg [dreg:$0x1];
	p0 =	sne.s32 s2, $0x0  }
0x3d: {  	s3 =	rddreg [dreg:$0x2];
	[bflag:$0x3] =	sbarrier.arrive $0xFFFF;
	s2 =	simm.s32 @!p0 $0x1C03  }
0x3e: {  	[timem:s3], [sflag:s2] =	dma.local @!p0 [hbm:s0], s1  }
0x3f: {  	s0 =	simm.s32 @!p0 $0x3  }
0x40: {  	_ =	swait.ge @!p0 [sflag:s0], s1  }
0x41: {  	s1 =	ssub.s32 @!p0 $0x0, s1;
	[sflag:s0] =	ssyncset.done @!p0 $0x0  }
0x42: {  	[sflag:s0] =	ssyncadd.s32 @!p0 s1  }
0x43: {  	[bflag:$0x3] =	sbarrier.arrive $0xFFFF  }
0x44: {  	_ =	shalt  }

</sc_bundles>
